<compile_context>
chip_gen: v7x
topology: tpu7x:2x2x1
jax: 0.10.2.dev20260603
libtpu: 0.0.44.dev20260713+nightly
codegen_flags: <defaults>
</compile_context>

<pallas_src>
import functools

import jax
import jax.numpy as jnp
from jax import lax
from jax.experimental import pallas as pl
from jax.experimental.pallas import tpu as pltpu
from jax.experimental.pallas import tpu_sc as plsc

B = 2048
SEG = 1024
LAT = 64
K = 512
EMB = 64

BM = 1024

_NT = (((1,), (1,)), ((), ()))
_NN = (((1,), (0,)), ((), ()))


def _dense(h, w_ref, b_ref, relu=True):
    o = lax.dot_general(h, w_ref[...], _NT,
                        preferred_element_type=jnp.float32) + b_ref[...]
    return jnp.maximum(o, 0.0) if relu else o


def _enc_kernel(x_ref, w1_ref, b1_ref, w2_ref, b2_ref, w3_ref, b3_ref,
                w4_ref, b4_ref, cbt_ref, z_ref, idx_ref):
    f32 = jnp.float32
    h = _dense(x_ref[...], w1_ref, b1_ref)
    h = _dense(h, w2_ref, b2_ref)
    h = _dense(h, w3_ref, b3_ref)
    z = _dense(h, w4_ref, b4_ref, relu=False)
    z_ref[...] = z

    cbt = cbt_ref[...]

    def split3(v):
        b = lax.bitcast_convert_type(v, jnp.uint32)
        v0 = lax.bitcast_convert_type(b & jnp.uint32(0xFFFF0000), f32)
        r = v - v0
        rb = lax.bitcast_convert_type(r, jnp.uint32)
        v1 = lax.bitcast_convert_type(rb & jnp.uint32(0xFFFF0000), f32)
        return v0, v1, r - v1

    z0, z1, z2 = split3(z)
    c0, c1, c2 = split3(cbt)
    zs = jnp.concatenate([z0, z0, z1, z0, z2, z1], axis=1)
    cs = jnp.concatenate([c0, c1, c0, c2, c0, c1], axis=0)
    scores = lax.dot_general(zs, cs, _NN, preferred_element_type=f32)
    cn2 = jnp.sum(cbt * cbt, axis=0, keepdims=True)
    dist = cn2 - 2.0 * scores
    minval = jnp.min(dist, axis=1, keepdims=True)
    iota = lax.broadcasted_iota(jnp.int32, (BM, K), 1)
    idx_ref[...] = jnp.min(jnp.where(dist == minval, iota, K), axis=1,
                           keepdims=True)


def _dec_kernel(zq_ref, dw1_ref, db1_ref, dw2_ref, db2_ref, dw3_ref, db3_ref,
                dw4_ref, db4_ref, xr_ref):
    h = _dense(zq_ref[...], dw1_ref, db1_ref)
    h = _dense(h, dw2_ref, db2_ref)
    h = _dense(h, dw3_ref, db3_ref)
    xr_ref[...] = _dense(h, dw4_ref, db4_ref, relu=False)


def _sc_gather(table, idx):
    gw = 128
    table = jnp.pad(table, ((0, 0), (0, gw - EMB)))
    info = plsc.get_sparse_core_info()
    nw = info.num_cores * info.num_subcores
    b_per_w = B // nw
    mesh = plsc.VectorSubcoreMesh(core_axis_name="c", subcore_axis_name="s")

    @functools.partial(
        pl.kernel, mesh=mesh,
        out_type=jax.ShapeDtypeStruct((B, gw), jnp.float32),
        scratch_types=[
            pltpu.VMEM((b_per_w,), jnp.int32),
            pltpu.VMEM((b_per_w, gw), jnp.float32),
            pltpu.SemaphoreType.DMA,
        ],
    )
    def gather_k(table_hbm, idx_hbm, out_hbm, idx_v, rows_v, sem):
        wid = lax.axis_index("s") * info.num_cores + lax.axis_index("c")
        base = wid * b_per_w
        pltpu.sync_copy(idx_hbm.at[pl.ds(base, b_per_w)], idx_v)
        pltpu.async_copy(table_hbm.at[idx_v], rows_v, sem).wait()
        pltpu.sync_copy(rows_v, out_hbm.at[pl.ds(base, b_per_w)])

    return gather_k(table, idx)[:, :EMB]


@jax.jit
def kernel(x, enc_w1, enc_b1, enc_w2, enc_b2, enc_w3, enc_b3, enc_w4, enc_b4,
           codebook, dec_w1, dec_b1, dec_w2, dec_b2, dec_w3, dec_b3, dec_w4,
           dec_b4):
    def full(a):
        return pl.BlockSpec(a.shape, lambda i: (0,) * a.ndim)

    def rowblk(cols):
        return pl.BlockSpec((BM, cols), lambda i: (i, 0))

    eb = [b.reshape(1, -1) for b in (enc_b1, enc_b2, enc_b3, enc_b4)]
    db = [b.reshape(1, -1) for b in (dec_b1, dec_b2, dec_b3, dec_b4)]
    cbt = codebook.T

    z, idx = pl.pallas_call(
        _enc_kernel,
        grid=(B // BM,),
        in_specs=[rowblk(SEG),
                  full(enc_w1), full(eb[0]), full(enc_w2), full(eb[1]),
                  full(enc_w3), full(eb[2]), full(enc_w4), full(eb[3]),
                  full(cbt)],
        out_specs=(rowblk(LAT), rowblk(1)),
        out_shape=(jax.ShapeDtypeStruct((B, LAT), jnp.float32),
                   jax.ShapeDtypeStruct((B, 1), jnp.int32)),
    )(x, enc_w1, eb[0], enc_w2, eb[1], enc_w3, eb[2], enc_w4, eb[3], cbt)

    zq = _sc_gather(codebook, idx.reshape(B))

    xr = pl.pallas_call(
        _dec_kernel,
        grid=(B // BM,),
        in_specs=[rowblk(EMB),
                  full(dec_w1), full(db[0]), full(dec_w2), full(db[1]),
                  full(dec_w3), full(db[2]), full(dec_w4), full(db[3])],
        out_specs=rowblk(SEG),
        out_shape=jax.ShapeDtypeStruct((B, SEG), jnp.float32),
    )(zq, dec_w1, db[0], dec_w2, db[1], dec_w3, db[2], dec_w4, db[3])
    return (xr, z, zq)

# --- scband reference (transcript-rebuilt; emitter-appended) ---
"""Pipeline reference for scband-vqvae-85212151152778 (READ-ONLY COPY).

The authoritative reference and input builder live on the scoring server;
editing this copy changes nothing except your own understanding.
"""

import jax, jax.numpy as jnp
import numpy as np

B = 2048
SEG = 1024
LAT = 64
K = 512
EMB = 64


def setup_inputs(seed: int = 0) -> dict:
    key = jax.random.key(seed)
    ks = jax.random.split(key, 20)

    def w(k, o, i):
        return (jax.random.normal(k, (o, i), dtype=jnp.float32) / np.sqrt(i)).astype(jnp.float32)

    def b(k, o):
        return (jax.random.normal(k, (o,), dtype=jnp.float32) * 0.01).astype(jnp.float32)

    inp = {
        "x": jax.random.normal(ks[0], (B, SEG), dtype=jnp.float32),
        "enc_w1": w(ks[1], 1024, SEG), "enc_b1": b(ks[2], 1024),
        "enc_w2": w(ks[3], 512, 1024), "enc_b2": b(ks[4], 512),
        "enc_w3": w(ks[5], 256, 512), "enc_b3": b(ks[6], 256),
        "enc_w4": w(ks[7], LAT, 256), "enc_b4": b(ks[8], LAT),
        "codebook": jax.random.normal(ks[9], (K, EMB), dtype=jnp.float32),
        "dec_w1": w(ks[10], 256, EMB), "dec_b1": b(ks[11], 256),
        "dec_w2": w(ks[12], 512, 256), "dec_b2": b(ks[13], 512),
        "dec_w3": w(ks[14], 1024, 512), "dec_b3": b(ks[15], 1024),
        "dec_w4": w(ks[16], SEG, 1024), "dec_b4": b(ks[17], SEG),
    }
    return inp


def reference(x, enc_w1, enc_b1, enc_w2, enc_b2, enc_w3, enc_b3, enc_w4, enc_b4,
              codebook, dec_w1, dec_b1, dec_w2, dec_b2, dec_w3, dec_b3, dec_w4, dec_b4):
    # encoder
    h = jax.nn.relu(x @ enc_w1.T + enc_b1)
    h = jax.nn.relu(h @ enc_w2.T + enc_b2)
    h = jax.nn.relu(h @ enc_w3.T + enc_b3)
    z = h @ enc_w4.T + enc_b4
    # vector quantize (faithful: full broadcasted squared-distance)
    distances = jnp.sum((z[:, None, :] - codebook[None, :, :]) ** 2, axis=-1)
    indices = jnp.argmin(distances, axis=1)
    z_q = jnp.take(codebook, indices, axis=0)
    # decoder
    h = jax.nn.relu(z_q @ dec_w1.T + dec_b1)
    h = jax.nn.relu(h @ dec_w2.T + dec_b2)
    h = jax.nn.relu(h @ dec_w3.T + dec_b3)
    x_recon = h @ dec_w4.T + dec_b4
    return (x_recon, z, z_q)

if __name__ == "__main__":
    import jax
    _d = setup_inputs()
    print(jax.jit(kernel)(*tuple(_d.values())))

</pallas_src>

<mosaic_0001>
#map = affine_map<(d0, d1) -> (0, 0)>
#map1 = affine_map<(d0, d1) -> (0)>
module attributes {stable_mosaic.version = 14 : i64} {
  func.func @gather_k(%arg0: i32, %arg1: i32, %arg2: memref<512x128xf32, #tpu.memory_space<hbm>>, %arg3: memref<2048xi32, #tpu.memory_space<hbm>>, %arg4: memref<2048x128xf32, #tpu.memory_space<hbm>>, %arg5: memref<64xi32, #tpu.memory_space<vmem>>, %arg6: memref<64x128xf32, #tpu.memory_space<vmem>>, %arg7: memref<!tpu.dma_semaphore, #tpu.memory_space<semaphore_mem>>) attributes {dimension_semantics = [#tpu.dimension_semantics<core_parallel>, #tpu.dimension_semantics<subcore_parallel>], iteration_bounds = array<i64: 2, 16>, scalar_prefetch = 0 : i64, scratch_operands = 3 : i64, tpu.core_type = #tpu.core_type<sc_vector_subcore>, window_params = [{transform_indices = #map}, {transform_indices = #map1}, {transform_indices = #map}]} {
    %mul3A = arith.constant 2 : i32
    %mul3A_0 = arith.muli %arg1, %mul3A : i32
    %add3A = arith.addi %mul3A_0, %arg0 : i32
    %mul3A_1 = arith.constant 64 : i32
    %mul3A_2 = arith.muli %add3A, %mul3A_1 : i32
    "tpu.region"() ({
      %run_scoped3A = tpu.sem_alloc : memref<!tpu.dma_semaphore, #tpu.memory_space<semaphore_mem>>
      %dma_start3A_7 = tpu.memref_slice %arg3[%mul3A_2] : memref<2048xi32, #tpu.memory_space<hbm>> -> memref<64xi32, #tpu.memory_space<hbm>>
      %dma_start3A_8 = tpu.memref_slice %arg3[%mul3A_2] : memref<2048xi32, #tpu.memory_space<hbm>> -> memref<64xi32, #tpu.memory_space<hbm>>
      tpu.enqueue_dma source(%dma_start3A_8 : memref<64xi32, #tpu.memory_space<hbm>>) target(%arg5 : memref<64xi32, #tpu.memory_space<vmem>>) target_semaphore(%run_scoped3A : memref<!tpu.dma_semaphore, #tpu.memory_space<semaphore_mem>>)
      %dma_wait3A_9 = tpu.memref_slice %arg3[%mul3A_2] : memref<2048xi32, #tpu.memory_space<hbm>> -> memref<64xi32, #tpu.memory_space<hbm>>
      %dma_wait3A_10 = tpu.memref_slice %arg3[%mul3A_2] : memref<2048xi32, #tpu.memory_space<hbm>> -> memref<64xi32, #tpu.memory_space<hbm>>
      tpu.wait_dma2 semaphore(%run_scoped3A : memref<!tpu.dma_semaphore, #tpu.memory_space<semaphore_mem>>) src(%dma_wait3A_10 : memref<64xi32, #tpu.memory_space<hbm>>) dst(%arg5 : memref<64xi32, #tpu.memory_space<vmem>>)
      tpu.yield
    }) : () -> ()
    %dma_start3A = arith.constant 0 : i32
    %dma_start3A_3 = arith.constant 0 : i32
    %dma_start3A_4 = tpu.memref_slice %arg2[%dma_start3A, %dma_start3A_3] : memref<512x128xf32, #tpu.memory_space<hbm>> -> memref<512x128xf32, #tpu.memory_space<hbm>>
    tpu.enqueue_indirect_dma source(%dma_start3A_4 : memref<512x128xf32, #tpu.memory_space<hbm>>) target(%arg6 : memref<64x128xf32, #tpu.memory_space<vmem>>) offsets(%arg5 : memref<64xi32, #tpu.memory_space<vmem>>) semaphore(%arg7 : memref<!tpu.dma_semaphore, #tpu.memory_space<semaphore_mem>>)
    %dma_wait3A = arith.constant 0 : i32
    %dma_wait3A_5 = arith.constant 0 : i32
    %dma_wait3A_6 = tpu.memref_slice %arg2[%dma_wait3A, %dma_wait3A_5] : memref<512x128xf32, #tpu.memory_space<hbm>> -> memref<512x128xf32, #tpu.memory_space<hbm>>
    tpu.wait_indirect_dma semaphore(%arg7 : memref<!tpu.dma_semaphore, #tpu.memory_space<semaphore_mem>>) src(%dma_wait3A_6 : memref<512x128xf32, #tpu.memory_space<hbm>>) dst(%arg6 : memref<64x128xf32, #tpu.memory_space<vmem>>)
    "tpu.region"() ({
      %run_scoped3A = tpu.sem_alloc : memref<!tpu.dma_semaphore, #tpu.memory_space<semaphore_mem>>
      %dma_start3A_7 = arith.constant 0 : i32
      %dma_start3A_8 = tpu.memref_slice %arg4[%mul3A_2, %dma_start3A_7] : memref<2048x128xf32, #tpu.memory_space<hbm>> -> memref<64x128xf32, #tpu.memory_space<hbm>>
      %dma_start3A_9 = arith.constant 0 : i32
      %dma_start3A_10 = tpu.memref_slice %arg4[%mul3A_2, %dma_start3A_9] : memref<2048x128xf32, #tpu.memory_space<hbm>> -> memref<64x128xf32, #tpu.memory_space<hbm>>
      tpu.enqueue_dma source(%arg6 : memref<64x128xf32, #tpu.memory_space<vmem>>) target(%dma_start3A_10 : memref<64x128xf32, #tpu.memory_space<hbm>>) target_semaphore(%run_scoped3A : memref<!tpu.dma_semaphore, #tpu.memory_space<semaphore_mem>>)
      %dma_wait3A_11 = arith.constant 0 : i32
      %dma_wait3A_12 = tpu.memref_slice %arg4[%mul3A_2, %dma_wait3A_11] : memref<2048x128xf32, #tpu.memory_space<hbm>> -> memref<64x128xf32, #tpu.memory_space<hbm>>
      %dma_wait3A_13 = arith.constant 0 : i32
      %dma_wait3A_14 = tpu.memref_slice %arg4[%mul3A_2, %dma_wait3A_13] : memref<2048x128xf32, #tpu.memory_space<hbm>> -> memref<64x128xf32, #tpu.memory_space<hbm>>
      tpu.wait_dma2 semaphore(%run_scoped3A : memref<!tpu.dma_semaphore, #tpu.memory_space<semaphore_mem>>) src(%arg6 : memref<64x128xf32, #tpu.memory_space<vmem>>) dst(%dma_wait3A_14 : memref<64x128xf32, #tpu.memory_space<hbm>>)
      tpu.yield
    }) : () -> ()
    return
  }
}

module attributes {stable_mosaic.version = 14 : i64} {
  func.func @_enc_kernel(%arg0: i32, %arg1: memref<1024x1024xf32, #tpu.memory_space<vmem>>, %arg2: memref<1024x1024xf32, #tpu.memory_space<vmem>>, %arg3: memref<1x1024xf32, #tpu.memory_space<vmem>>, %arg4: memref<512x1024xf32, #tpu.memory_space<vmem>>, %arg5: memref<1x512xf32, #tpu.memory_space<vmem>>, %arg6: memref<256x512xf32, #tpu.memory_space<vmem>>, %arg7: memref<1x256xf32, #tpu.memory_space<vmem>>, %arg8: memref<64x256xf32, #tpu.memory_space<vmem>>, %arg9: memref<1x64xf32, #tpu.memory_space<vmem>>, %arg10: memref<64x512xf32, #tpu.memory_space<vmem>>, %arg11: memref<1024x64xf32, #tpu.memory_space<vmem>>, %arg12: memref<1024x1xi32, #tpu.memory_space<vmem>>) attributes {dimension_semantics = [#tpu.dimension_semantics<arbitrary>], iteration_bounds = array<i64: 2>, scalar_prefetch = 0 : i64, scratch_operands = 0 : i64, tpu.core_type = #tpu.core_type<tc>, window_params = [{transform_indices = @transform_0, window_bounds = array<i64: 1024, 1024>}, {pipeline_mode = #tpu.pipeline_mode<synchronous>, transform_indices = @transform_1, window_bounds = array<i64: 1024, 1024>}, {pipeline_mode = #tpu.pipeline_mode<synchronous>, transform_indices = @transform_2, window_bounds = array<i64: 1, 1024>}, {pipeline_mode = #tpu.pipeline_mode<synchronous>, transform_indices = @transform_3, window_bounds = array<i64: 512, 1024>}, {pipeline_mode = #tpu.pipeline_mode<synchronous>, transform_indices = @transform_4, window_bounds = array<i64: 1, 512>}, {pipeline_mode = #tpu.pipeline_mode<synchronous>, transform_indices = @transform_5, window_bounds = array<i64: 256, 512>}, {pipeline_mode = #tpu.pipeline_mode<synchronous>, transform_indices = @transform_6, window_bounds = array<i64: 1, 256>}, {pipeline_mode = #tpu.pipeline_mode<synchronous>, transform_indices = @transform_7, window_bounds = array<i64: 64, 256>}, {pipeline_mode = #tpu.pipeline_mode<synchronous>, transform_indices = @transform_8, window_bounds = array<i64: 1, 64>}, {pipeline_mode = #tpu.pipeline_mode<synchronous>, transform_indices = @transform_9, window_bounds = array<i64: 64, 512>}, {transform_indices = @transform_10, window_bounds = array<i64: 1024, 64>}, {transform_indices = @transform_11, window_bounds = array<i64: 1024, 1>}]} {
    %get3A = arith.constant 0 : index
    %get3A_0 = arith.constant 0 : index
    %get3A_1 = vector.load %arg1[%get3A, %get3A_0] : memref<1024x1024xf32, #tpu.memory_space<vmem>>, vector<1024x1024xf32>
    %get3A_2 = arith.constant 0 : index
    %get3A_3 = arith.constant 0 : index
    %get3A_4 = vector.load %arg2[%get3A_2, %get3A_3] : memref<1024x1024xf32, #tpu.memory_space<vmem>>, vector<1024x1024xf32>
    %dot_general3A = arith.constant dense<0.000000e+00> : vector<1024x1024xf32>
    %dot_general3A_5 = tpu.matmul %get3A_1, %get3A_4, %dot_general3A {dimension_numbers = #tpu.dot_dimension_numbers<[1], [1], [0], [0], [0, 0, 1, 0], [], []>, transpose_lhs_hint = false} : vector<1024x1024xf32>, vector<1024x1024xf32>, vector<1024x1024xf32> -> vector<1024x1024xf32>
    %get3A_6 = arith.constant 0 : index
    %get3A_7 = arith.constant 0 : index
    %get3A_8 = vector.load %arg3[%get3A_6, %get3A_7] : memref<1x1024xf32, #tpu.memory_space<vmem>>, vector<1x1024xf32>
    %add3A = vector.broadcast %get3A_8 : vector<1x1024xf32> to vector<1024x1024xf32>
    %add3A_9 = arith.addf %dot_general3A_5, %add3A : vector<1024x1024xf32>
    %max3A = arith.constant 0.000000e+00 : f32
    %max3A_10 = vector.broadcast %max3A : f32 to vector<1024x1024xf32>
    %max3A_11 = arith.maximumf %add3A_9, %max3A_10 : vector<1024x1024xf32>
    %get3A_12 = arith.constant 0 : index
    %get3A_13 = arith.constant 0 : index
    %get3A_14 = vector.load %arg4[%get3A_12, %get3A_13] : memref<512x1024xf32, #tpu.memory_space<vmem>>, vector<512x1024xf32>
    %dot_general3A_15 = arith.constant dense<0.000000e+00> : vector<1024x512xf32>
    %dot_general3A_16 = tpu.matmul %max3A_11, %get3A_14, %dot_general3A_15 {dimension_numbers = #tpu.dot_dimension_numbers<[1], [1], [0], [0], [0, 0, 1, 0], [], []>, transpose_lhs_hint = false} : vector<1024x1024xf32>, vector<512x1024xf32>, vector<1024x512xf32> -> vector<1024x512xf32>
    %get3A_17 = arith.constant 0 : index
    %get3A_18 = arith.constant 0 : index
    %get3A_19 = vector.load %arg5[%get3A_17, %get3A_18] : memref<1x512xf32, #tpu.memory_space<vmem>>, vector<1x512xf32>
    %add3A_20 = vector.broadcast %get3A_19 : vector<1x512xf32> to vector<1024x512xf32>
    %add3A_21 = arith.addf %dot_general3A_16, %add3A_20 : vector<1024x512xf32>
    %max3A_22 = arith.constant 0.000000e+00 : f32
    %max3A_23 = vector.broadcast %max3A_22 : f32 to vector<1024x512xf32>
    %max3A_24 = arith.maximumf %add3A_21, %max3A_23 : vector<1024x512xf32>
    %get3A_25 = arith.constant 0 : index
    %get3A_26 = arith.constant 0 : index
    %get3A_27 = vector.load %arg6[%get3A_25, %get3A_26] : memref<256x512xf32, #tpu.memory_space<vmem>>, vector<256x512xf32>
    %dot_general3A_28 = arith.constant dense<0.000000e+00> : vector<1024x256xf32>
    %dot_general3A_29 = tpu.matmul %max3A_24, %get3A_27, %dot_general3A_28 {dimension_numbers = #tpu.dot_dimension_numbers<[1], [1], [0], [0], [0, 0, 1, 0], [], []>, transpose_lhs_hint = false} : vector<1024x512xf32>, vector<256x512xf32>, vector<1024x256xf32> -> vector<1024x256xf32>
    %get3A_30 = arith.constant 0 : index
    %get3A_31 = arith.constant 0 : index
    %get3A_32 = vector.load %arg7[%get3A_30, %get3A_31] : memref<1x256xf32, #tpu.memory_space<vmem>>, vector<1x256xf32>
    %add3A_33 = vector.broadcast %get3A_32 : vector<1x256xf32> to vector<1024x256xf32>
    %add3A_34 = arith.addf %dot_general3A_29, %add3A_33 : vector<1024x256xf32>
    %max3A_35 = arith.constant 0.000000e+00 : f32
    %max3A_36 = vector.broadcast %max3A_35 : f32 to vector<1024x256xf32>
    %max3A_37 = arith.maximumf %add3A_34, %max3A_36 : vector<1024x256xf32>
    %get3A_38 = arith.constant 0 : index
    %get3A_39 = arith.constant 0 : index
    %get3A_40 = vector.load %arg8[%get3A_38, %get3A_39] : memref<64x256xf32, #tpu.memory_space<vmem>>, vector<64x256xf32>
    %dot_general3A_41 = arith.constant dense<0.000000e+00> : vector<1024x64xf32>
    %dot_general3A_42 = tpu.matmul %max3A_37, %get3A_40, %dot_general3A_41 {dimension_numbers = #tpu.dot_dimension_numbers<[1], [1], [0], [0], [0, 0, 1, 0], [], []>, transpose_lhs_hint = false} : vector<1024x256xf32>, vector<64x256xf32>, vector<1024x64xf32> -> vector<1024x64xf32>
    %get3A_43 = arith.constant 0 : index
    %get3A_44 = arith.constant 0 : index
    %get3A_45 = vector.load %arg9[%get3A_43, %get3A_44] : memref<1x64xf32, #tpu.memory_space<vmem>>, vector<1x64xf32>
    %add3A_46 = vector.broadcast %get3A_45 : vector<1x64xf32> to vector<1024x64xf32>
    %add3A_47 = arith.addf %dot_general3A_42, %add3A_46 : vector<1024x64xf32>
    %swap3A = arith.constant 0 : index
    %swap3A_48 = arith.constant 0 : index
    %swap3A_49 = vector.load %arg11[%swap3A, %swap3A_48] : memref<1024x64xf32, #tpu.memory_space<vmem>>, vector<1024x64xf32>
    tpu.vector_store %arg11[%swap3A, %swap3A_48], %add3A_47 {strides = array<i32>} : memref<1024x64xf32, #tpu.memory_space<vmem>>, vector<1024x64xf32>,
    %get3A_50 = arith.constant 0 : index
    %get3A_51 = arith.constant 0 : index
    %get3A_52 = vector.load %arg10[%get3A_50, %get3A_51] : memref<64x512xf32, #tpu.memory_space<vmem>>, vector<64x512xf32>
    %bitcast_convert_type3A = tpu.bitcast %add3A_47 : vector<1024x64xf32> -> vector<1024x64xi32>
    %and3A = arith.constant -65536 : i32
    %and3A_53 = vector.broadcast %and3A : i32 to vector<1024x64xi32>
    %and3A_54 = arith.andi %bitcast_convert_type3A, %and3A_53 : vector<1024x64xi32>
    %bitcast_convert_type3A_55 = tpu.bitcast %and3A_54 : vector<1024x64xi32> -> vector<1024x64xf32>
    %sub3A = arith.subf %add3A_47, %bitcast_convert_type3A_55 : vector<1024x64xf32>
    %bitcast_convert_type3A_56 = tpu.bitcast %sub3A : vector<1024x64xf32> -> vector<1024x64xi32>
    %and3A_57 = arith.constant -65536 : i32
    %and3A_58 = vector.broadcast %and3A_57 : i32 to vector<1024x64xi32>
    %and3A_59 = arith.andi %bitcast_convert_type3A_56, %and3A_58 : vector<1024x64xi32>
    %bitcast_convert_type3A_60 = tpu.bitcast %and3A_59 : vector<1024x64xi32> -> vector<1024x64xf32>
    %sub3A_61 = arith.subf %sub3A, %bitcast_convert_type3A_60 : vector<1024x64xf32>
    %bitcast_convert_type3A_62 = tpu.bitcast %get3A_52 : vector<64x512xf32> -> vector<64x512xi32>
    %and3A_63 = arith.constant -65536 : i32
    %and3A_64 = vector.broadcast %and3A_63 : i32 to vector<64x512xi32>
    %and3A_65 = arith.andi %bitcast_convert_type3A_62, %and3A_64 : vector<64x512xi32>
    %bitcast_convert_type3A_66 = tpu.bitcast %and3A_65 : vector<64x512xi32> -> vector<64x512xf32>
    %sub3A_67 = arith.subf %get3A_52, %bitcast_convert_type3A_66 : vector<64x512xf32>
    %bitcast_convert_type3A_68 = tpu.bitcast %sub3A_67 : vector<64x512xf32> -> vector<64x512xi32>
    %and3A_69 = arith.constant -65536 : i32
    %and3A_70 = vector.broadcast %and3A_69 : i32 to vector<64x512xi32>
    %and3A_71 = arith.andi %bitcast_convert_type3A_68, %and3A_70 : vector<64x512xi32>
    %bitcast_convert_type3A_72 = tpu.bitcast %and3A_71 : vector<64x512xi32> -> vector<64x512xf32>
    %sub3A_73 = arith.subf %sub3A_67, %bitcast_convert_type3A_72 : vector<64x512xf32>
    %concatenate3A = tpu.concatenate %bitcast_convert_type3A_55, %bitcast_convert_type3A_55, %bitcast_convert_type3A_60, %bitcast_convert_type3A_55, %sub3A_61, %bitcast_convert_type3A_60 in 1 : vector<1024x64xf32>, vector<1024x64xf32>, vector<1024x64xf32>, vector<1024x64xf32>, vector<1024x64xf32>, vector<1024x64xf32> -> vector<1024x384xf32>
    %concatenate3A_74 = tpu.concatenate %bitcast_convert_type3A_66, %bitcast_convert_type3A_72, %bitcast_convert_type3A_66, %sub3A_73, %bitcast_convert_type3A_66, %bitcast_convert_type3A_72 in 0 : vector<64x512xf32>, vector<64x512xf32>, vector<64x512xf32>, vector<64x512xf32>, vector<64x512xf32>, vector<64x512xf32> -> vector<384x512xf32>
    %dot_general3A_75 = arith.constant dense<0.000000e+00> : vector<1024x512xf32>
    %dot_general3A_76 = tpu.matmul %concatenate3A, %concatenate3A_74, %dot_general3A_75 {dimension_numbers = #tpu.dot_dimension_numbers<[1], [0], [0], [1], [0, 0, 1, 1], [], []>, transpose_lhs_hint = false} : vector<1024x384xf32>, vector<384x512xf32>, vector<1024x512xf32> -> vector<1024x512xf32>
    %mul3A = arith.mulf %get3A_52, %get3A_52 : vector<64x512xf32>
    %reduce_sum3A = arith.constant dense<0.000000e+00> : vector<512xf32>
    %reduce_sum3A_77 = vector.multi_reduction <add>, %mul3A, %reduce_sum3A [0] : vector<64x512xf32> to vector<512xf32>
    %broadcast_in_dim3A = vector.shape_cast %reduce_sum3A_77 : vector<512xf32> to vector<1x512xf32>
    %mul3A_78 = arith.constant 2.000000e+00 : f32
    %mul3A_79 = vector.broadcast %mul3A_78 : f32 to vector<1024x512xf32>
    %mul3A_80 = arith.mulf %mul3A_79, %dot_general3A_76 : vector<1024x512xf32>
    %sub3A_81 = vector.broadcast %broadcast_in_dim3A : vector<1x512xf32> to vector<1024x512xf32>
    %sub3A_82 = arith.subf %sub3A_81, %mul3A_80 : vector<1024x512xf32>
    %reduce_min3A = arith.constant dense<0x7F800000> : vector<1024xf32>
    %reduce_min3A_83 = vector.multi_reduction <minimumf>, %sub3A_82, %reduce_min3A [1] : vector<1024x512xf32> to vector<1024xf32>
    %broadcast_in_dim3A_84 = vector.shape_cast %reduce_min3A_83 : vector<1024xf32> to vector<1024x1xf32>
    %iota3A = tpu.iota {dimensions = array<i32: 1>} : vector<1024x512xi32>
    %eq3A = vector.broadcast %broadcast_in_dim3A_84 : vector<1024x1xf32> to vector<1024x512xf32>
    %eq3A_85 = arith.cmpf oeq, %sub3A_82, %eq3A : vector<1024x512xf32>
    %jit3A = arith.constant 512 : i32
    %broadcast_in_dim3A_86 = vector.broadcast %jit3A : i32 to vector<1024x512xi32>
    %select_n3A = arith.select %eq3A_85, %iota3A, %broadcast_in_dim3A_86 : vector<1024x512xi1>, vector<1024x512xi32>
    %reduce_min3A_87 = arith.constant dense<2147483647> : vector<1024xi32>
    %reduce_min3A_88 = vector.multi_reduction <minsi>, %select_n3A, %reduce_min3A_87 [1] : vector<1024x512xi32> to vector<1024xi32>
    %broadcast_in_dim3A_89 = vector.shape_cast %reduce_min3A_88 : vector<1024xi32> to vector<1024x1xi32>
    %swap3A_90 = arith.constant 0 : index
    %swap3A_91 = arith.constant 0 : index
    %swap3A_92 = vector.load %arg12[%swap3A_90, %swap3A_91] : memref<1024x1xi32, #tpu.memory_space<vmem>>, vector<1024x1xi32>
    tpu.vector_store %arg12[%swap3A_90, %swap3A_91], %broadcast_in_dim3A_89 {strides = array<i32>} : memref<1024x1xi32, #tpu.memory_space<vmem>>, vector<1024x1xi32>,
    return
  }
  func.func @transform_0(%arg0: i32) -> (i32, i32) {
    %c0_i32 = arith.constant 0 : i32
    %c0_i32_0 = arith.constant 0 : i32
    return %arg0, %c0_i32 : i32, i32
  }
  func.func @transform_1(%arg0: i32) -> (i32, i32) {
    %c0_i32 = arith.constant 0 : i32
    %c0_i32_0 = arith.constant 0 : i32
    %c0_i32_1 = arith.constant 0 : i32
    return %c0_i32, %c0_i32_0 : i32, i32
  }
  func.func @transform_2(%arg0: i32) -> (i32, i32) {
    %c0_i32 = arith.constant 0 : i32
    %c0_i32_0 = arith.constant 0 : i32
    %c0_i32_1 = arith.constant 0 : i32
    return %c0_i32, %c0_i32_0 : i32, i32
  }
  func.func @transform_3(%arg0: i32) -> (i32, i32) {
    %c0_i32 = arith.constant 0 : i32
    %c0_i32_0 = arith.constant 0 : i32
    %c0_i32_1 = arith.constant 0 : i32
    return %c0_i32, %c0_i32_0 : i32, i32
  }
  func.func @transform_4(%arg0: i32) -> (i32, i32) {
    %c0_i32 = arith.constant 0 : i32
    %c0_i32_0 = arith.constant 0 : i32
    %c0_i32_1 = arith.constant 0 : i32
    return %c0_i32, %c0_i32_0 : i32, i32
  }
  func.func @transform_5(%arg0: i32) -> (i32, i32) {
    %c0_i32 = arith.constant 0 : i32
    %c0_i32_0 = arith.constant 0 : i32
    %c0_i32_1 = arith.constant 0 : i32
    return %c0_i32, %c0_i32_0 : i32, i32
  }
  func.func @transform_6(%arg0: i32) -> (i32, i32) {
    %c0_i32 = arith.constant 0 : i32
    %c0_i32_0 = arith.constant 0 : i32
    %c0_i32_1 = arith.constant 0 : i32
    return %c0_i32, %c0_i32_0 : i32, i32
  }
  func.func @transform_7(%arg0: i32) -> (i32, i32) {
    %c0_i32 = arith.constant 0 : i32
    %c0_i32_0 = arith.constant 0 : i32
    %c0_i32_1 = arith.constant 0 : i32
    return %c0_i32, %c0_i32_0 : i32, i32
  }
  func.func @transform_8(%arg0: i32) -> (i32, i32) {
    %c0_i32 = arith.constant 0 : i32
    %c0_i32_0 = arith.constant 0 : i32
    %c0_i32_1 = arith.constant 0 : i32
    return %c0_i32, %c0_i32_0 : i32, i32
  }
  func.func @transform_9(%arg0: i32) -> (i32, i32) {
    %c0_i32 = arith.constant 0 : i32
    %c0_i32_0 = arith.constant 0 : i32
    %c0_i32_1 = arith.constant 0 : i32
    return %c0_i32, %c0_i32_0 : i32, i32
  }
  func.func @transform_10(%arg0: i32) -> (i32, i32) {
    %c0_i32 = arith.constant 0 : i32
    %c0_i32_0 = arith.constant 0 : i32
    return %arg0, %c0_i32 : i32, i32
  }
  func.func @transform_11(%arg0: i32) -> (i32, i32) {
    %c0_i32 = arith.constant 0 : i32
    %c0_i32_0 = arith.constant 0 : i32
    return %arg0, %c0_i32 : i32, i32
  }
}

module attributes {stable_mosaic.version = 14 : i64} {
  func.func @_dec_kernel(%arg0: i32, %arg1: memref<1024x64xf32, #tpu.memory_space<vmem>>, %arg2: memref<256x64xf32, #tpu.memory_space<vmem>>, %arg3: memref<1x256xf32, #tpu.memory_space<vmem>>, %arg4: memref<512x256xf32, #tpu.memory_space<vmem>>, %arg5: memref<1x512xf32, #tpu.memory_space<vmem>>, %arg6: memref<1024x512xf32, #tpu.memory_space<vmem>>, %arg7: memref<1x1024xf32, #tpu.memory_space<vmem>>, %arg8: memref<1024x1024xf32, #tpu.memory_space<vmem>>, %arg9: memref<1x1024xf32, #tpu.memory_space<vmem>>, %arg10: memref<1024x1024xf32, #tpu.memory_space<vmem>>) attributes {dimension_semantics = [#tpu.dimension_semantics<arbitrary>], iteration_bounds = array<i64: 2>, scalar_prefetch = 0 : i64, scratch_operands = 0 : i64, tpu.core_type = #tpu.core_type<tc>, window_params = [{transform_indices = @transform_0, window_bounds = array<i64: 1024, 64>}, {pipeline_mode = #tpu.pipeline_mode<synchronous>, transform_indices = @transform_1, window_bounds = array<i64: 256, 64>}, {pipeline_mode = #tpu.pipeline_mode<synchronous>, transform_indices = @transform_2, window_bounds = array<i64: 1, 256>}, {pipeline_mode = #tpu.pipeline_mode<synchronous>, transform_indices = @transform_3, window_bounds = array<i64: 512, 256>}, {pipeline_mode = #tpu.pipeline_mode<synchronous>, transform_indices = @transform_4, window_bounds = array<i64: 1, 512>}, {pipeline_mode = #tpu.pipeline_mode<synchronous>, transform_indices = @transform_5, window_bounds = array<i64: 1024, 512>}, {pipeline_mode = #tpu.pipeline_mode<synchronous>, transform_indices = @transform_6, window_bounds = array<i64: 1, 1024>}, {pipeline_mode = #tpu.pipeline_mode<synchronous>, transform_indices = @transform_7, window_bounds = array<i64: 1024, 1024>}, {pipeline_mode = #tpu.pipeline_mode<synchronous>, transform_indices = @transform_8, window_bounds = array<i64: 1, 1024>}, {transform_indices = @transform_9, window_bounds = array<i64: 1024, 1024>}]} {
    %get3A = arith.constant 0 : index
    %get3A_0 = arith.constant 0 : index
    %get3A_1 = vector.load %arg1[%get3A, %get3A_0] : memref<1024x64xf32, #tpu.memory_space<vmem>>, vector<1024x64xf32>
    %get3A_2 = arith.constant 0 : index
    %get3A_3 = arith.constant 0 : index
    %get3A_4 = vector.load %arg2[%get3A_2, %get3A_3] : memref<256x64xf32, #tpu.memory_space<vmem>>, vector<256x64xf32>
    %dot_general3A = arith.constant dense<0.000000e+00> : vector<1024x256xf32>
    %dot_general3A_5 = tpu.matmul %get3A_1, %get3A_4, %dot_general3A {dimension_numbers = #tpu.dot_dimension_numbers<[1], [1], [0], [0], [0, 0, 1, 0], [], []>, transpose_lhs_hint = false} : vector<1024x64xf32>, vector<256x64xf32>, vector<1024x256xf32> -> vector<1024x256xf32>
    %get3A_6 = arith.constant 0 : index
    %get3A_7 = arith.constant 0 : index
    %get3A_8 = vector.load %arg3[%get3A_6, %get3A_7] : memref<1x256xf32, #tpu.memory_space<vmem>>, vector<1x256xf32>
    %add3A = vector.broadcast %get3A_8 : vector<1x256xf32> to vector<1024x256xf32>
    %add3A_9 = arith.addf %dot_general3A_5, %add3A : vector<1024x256xf32>
    %max3A = arith.constant 0.000000e+00 : f32
    %max3A_10 = vector.broadcast %max3A : f32 to vector<1024x256xf32>
    %max3A_11 = arith.maximumf %add3A_9, %max3A_10 : vector<1024x256xf32>
    %get3A_12 = arith.constant 0 : index
    %get3A_13 = arith.constant 0 : index
    %get3A_14 = vector.load %arg4[%get3A_12, %get3A_13] : memref<512x256xf32, #tpu.memory_space<vmem>>, vector<512x256xf32>
    %dot_general3A_15 = arith.constant dense<0.000000e+00> : vector<1024x512xf32>
    %dot_general3A_16 = tpu.matmul %max3A_11, %get3A_14, %dot_general3A_15 {dimension_numbers = #tpu.dot_dimension_numbers<[1], [1], [0], [0], [0, 0, 1, 0], [], []>, transpose_lhs_hint = false} : vector<1024x256xf32>, vector<512x256xf32>, vector<1024x512xf32> -> vector<1024x512xf32>
    %get3A_17 = arith.constant 0 : index
    %get3A_18 = arith.constant 0 : index
    %get3A_19 = vector.load %arg5[%get3A_17, %get3A_18] : memref<1x512xf32, #tpu.memory_space<vmem>>, vector<1x512xf32>
    %add3A_20 = vector.broadcast %get3A_19 : vector<1x512xf32> to vector<1024x512xf32>
    %add3A_21 = arith.addf %dot_general3A_16, %add3A_20 : vector<1024x512xf32>
    %max3A_22 = arith.constant 0.000000e+00 : f32
    %max3A_23 = vector.broadcast %max3A_22 : f32 to vector<1024x512xf32>
    %max3A_24 = arith.maximumf %add3A_21, %max3A_23 : vector<1024x512xf32>
    %get3A_25 = arith.constant 0 : index
    %get3A_26 = arith.constant 0 : index
    %get3A_27 = vector.load %arg6[%get3A_25, %get3A_26] : memref<1024x512xf32, #tpu.memory_space<vmem>>, vector<1024x512xf32>
    %dot_general3A_28 = arith.constant dense<0.000000e+00> : vector<1024x1024xf32>
    %dot_general3A_29 = tpu.matmul %max3A_24, %get3A_27, %dot_general3A_28 {dimension_numbers = #tpu.dot_dimension_numbers<[1], [1], [0], [0], [0, 0, 1, 0], [], []>, transpose_lhs_hint = false} : vector<1024x512xf32>, vector<1024x512xf32>, vector<1024x1024xf32> -> vector<1024x1024xf32>
    %get3A_30 = arith.constant 0 : index
    %get3A_31 = arith.constant 0 : index
    %get3A_32 = vector.load %arg7[%get3A_30, %get3A_31] : memref<1x1024xf32, #tpu.memory_space<vmem>>, vector<1x1024xf32>
    %add3A_33 = vector.broadcast %get3A_32 : vector<1x1024xf32> to vector<1024x1024xf32>
    %add3A_34 = arith.addf %dot_general3A_29, %add3A_33 : vector<1024x1024xf32>
    %max3A_35 = arith.constant 0.000000e+00 : f32
    %max3A_36 = vector.broadcast %max3A_35 : f32 to vector<1024x1024xf32>
    %max3A_37 = arith.maximumf %add3A_34, %max3A_36 : vector<1024x1024xf32>
    %get3A_38 = arith.constant 0 : index
    %get3A_39 = arith.constant 0 : index
    %get3A_40 = vector.load %arg8[%get3A_38, %get3A_39] : memref<1024x1024xf32, #tpu.memory_space<vmem>>, vector<1024x1024xf32>
    %dot_general3A_41 = arith.constant dense<0.000000e+00> : vector<1024x1024xf32>
    %dot_general3A_42 = tpu.matmul %max3A_37, %get3A_40, %dot_general3A_41 {dimension_numbers = #tpu.dot_dimension_numbers<[1], [1], [0], [0], [0, 0, 1, 0], [], []>, transpose_lhs_hint = false} : vector<1024x1024xf32>, vector<1024x1024xf32>, vector<1024x1024xf32> -> vector<1024x1024xf32>
    %get3A_43 = arith.constant 0 : index
    %get3A_44 = arith.constant 0 : index
    %get3A_45 = vector.load %arg9[%get3A_43, %get3A_44] : memref<1x1024xf32, #tpu.memory_space<vmem>>, vector<1x1024xf32>
    %add3A_46 = vector.broadcast %get3A_45 : vector<1x1024xf32> to vector<1024x1024xf32>
    %add3A_47 = arith.addf %dot_general3A_42, %add3A_46 : vector<1024x1024xf32>
    %swap3A = arith.constant 0 : index
    %swap3A_48 = arith.constant 0 : index
    %swap3A_49 = vector.load %arg10[%swap3A, %swap3A_48] : memref<1024x1024xf32, #tpu.memory_space<vmem>>, vector<1024x1024xf32>
    tpu.vector_store %arg10[%swap3A, %swap3A_48], %add3A_47 {strides = array<i32>} : memref<1024x1024xf32, #tpu.memory_space<vmem>>, vector<1024x1024xf32>,
    return
  }
  func.func @transform_0(%arg0: i32) -> (i32, i32) {
    %c0_i32 = arith.constant 0 : i32
    %c0_i32_0 = arith.constant 0 : i32
    return %arg0, %c0_i32 : i32, i32
  }
  func.func @transform_1(%arg0: i32) -> (i32, i32) {
    %c0_i32 = arith.constant 0 : i32
    %c0_i32_0 = arith.constant 0 : i32
    %c0_i32_1 = arith.constant 0 : i32
    return %c0_i32, %c0_i32_0 : i32, i32
  }
  func.func @transform_2(%arg0: i32) -> (i32, i32) {
    %c0_i32 = arith.constant 0 : i32
    %c0_i32_0 = arith.constant 0 : i32
    %c0_i32_1 = arith.constant 0 : i32
    return %c0_i32, %c0_i32_0 : i32, i32
  }
  func.func @transform_3(%arg0: i32) -> (i32, i32) {
    %c0_i32 = arith.constant 0 : i32
    %c0_i32_0 = arith.constant 0 : i32
    %c0_i32_1 = arith.constant 0 : i32
    return %c0_i32, %c0_i32_0 : i32, i32
  }
  func.func @transform_4(%arg0: i32) -> (i32, i32) {
    %c0_i32 = arith.constant 0 : i32
    %c0_i32_0 = arith.constant 0 : i32
    %c0_i32_1 = arith.constant 0 : i32
    return %c0_i32, %c0_i32_0 : i32, i32
  }
  func.func @transform_5(%arg0: i32) -> (i32, i32) {
    %c0_i32 = arith.constant 0 : i32
    %c0_i32_0 = arith.constant 0 : i32
    %c0_i32_1 = arith.constant 0 : i32
    return %c0_i32, %c0_i32_0 : i32, i32
  }
  func.func @transform_6(%arg0: i32) -> (i32, i32) {
    %c0_i32 = arith.constant 0 : i32
    %c0_i32_0 = arith.constant 0 : i32
    %c0_i32_1 = arith.constant 0 : i32
    return %c0_i32, %c0_i32_0 : i32, i32
  }
  func.func @transform_7(%arg0: i32) -> (i32, i32) {
    %c0_i32 = arith.constant 0 : i32
    %c0_i32_0 = arith.constant 0 : i32
    %c0_i32_1 = arith.constant 0 : i32
    return %c0_i32, %c0_i32_0 : i32, i32
  }
  func.func @transform_8(%arg0: i32) -> (i32, i32) {
    %c0_i32 = arith.constant 0 : i32
    %c0_i32_0 = arith.constant 0 : i32
    %c0_i32_1 = arith.constant 0 : i32
    return %c0_i32, %c0_i32_0 : i32, i32
  }
  func.func @transform_9(%arg0: i32) -> (i32, i32) {
    %c0_i32 = arith.constant 0 : i32
    %c0_i32_0 = arith.constant 0 : i32
    return %arg0, %c0_i32 : i32, i32
  }
}

</mosaic_0001>

<sc_bundles>
// kernel: kernel.5.cloned.1.call-start
scs
__scs_entry_jumppad:
0x0: {  	(pc) =	sbr.rel $0x88, $3  }
0x1: {  	(tag) =	ssettag $0x0;
	lr =	simm.s32 $0x1  }
0x2: {  	[smem:$0x3F8F] =	sst lr;
	_ =	strace $0xD0000000  }
0x3: {  	_ = 	snop  }
0x4: {  	_ = 	snop  }
0x5: {  	_ = 	snop  }
0x6: {  	_ = 	snop  }
0x7: {  	_ = 	snop  }
__scs_overlays_trampoline_lowered:
0x8: {  	[smem:$0x3F9E] =	sst s0  }
0x9: {  	[smem:$0x3F9F] =	sst s1  }
0xa: {  	[smem:$0x3FA0] =	sst s2  }
0xb: {  	[smem:$0x3FA1] =	sst s3  }
0xc: {  	[smem:$0x3FA2] =	sst s4  }
0xd: {  	[smem:$0x3FA3] =	sst s5  }
0xe: {  	[smem:$0x3FA4] =	sst s6  }
0xf: {  	[smem:$0x3FA5] =	sst s7  }
0x10: {  	[smem:$0x3FA6] =	sst s8  }
0x11: {  	[smem:$0x3FA7] =	sst s9;
	s0 =	simm.s32 @!p0 $0x0  }
0x12: {  	s1 =	sld [smem:$0x3F8D];
	s0 =	simm.s32 @p0 $0x1  }
0x13: {  	[smem:$0x3FA8] =	sst s0;
	s0 =	simm.s32 @!p1 $0x0  }
0x14: {  	s2 =	sld [smem:$0x3F8C];
	s0 =	simm.s32 @p1 $0x1  }
0x15: {  	[smem:$0x3FA9] =	sst s0;
	s0 =	simm.s32 @!p2 $0x0  }
0x16: {  	s3 =	sld [smem:$0x3FDB];
	s0 =	simm.s32 @p2 $0x1  }
0x17: {  	s4 =	simm.s32 $0x1BF5;
	[smem:$0x3FAB] =	sst s0  }
0x18: {  	s0 =	sld [smem:$0x3F8E];
	_ =	swait.ge [sflag:s4], $0x0  }
0x19: {  	s7 =	sld [smem:$0x3F8F]  }
0x1a: {  	s8 =	sadd.s32 $0xFFFFE003, lr  }
0x1b: {  	s9 =	sadd.s32 $0xFFFFFEF7, lr;
	s5 =	simm.s32 $0xFFFFFFFF;
	p2 =	slt.u32 s8, $0xFFFFF086  }
0x1c: {  	p1 =	slt.u32 s9, $0xF7A;
	s5 =	simm.s32 @!p2 $0x0  }
0x1d: {  	s5 =	simm.s32 @p1 $0x1;
	p0 =	seq.s32 s7, s2  }
0x1e: {  	s7 =	smul.u32 @!p0 $0xF7A, s2;
	p2 =	seq.s32 @!p0 s5, $0x0  }
0x1f: {  	s9 =	smul.u32 $0xF7A, s1;
	s8 =	simm.s32 @!p0 $0x1BF5;
	p2 =	por !p2, p0  }
0x20: {  	[sflag:s8] =	ssyncset.s32 @!p0 $0xFFFFF086;
	s6 =	sadd.s32 @!p0 s3, s7;
	s7 =	simm.s32 @!p0 $0x108  }
0x21: {  	s3 =	sadd.s32 s3, s9;
	s6 =	sadd.s32 @!p0 $0x88, s6;
	s7 =	simm.s32 @p2 $0x1082  }
0x22: {  	[simem:s7], [sflag:s8] =	dma.local @!p0 [hbm:s6], $0xF7A  }
0x23: {  	s9 =	sor.u32 $0xD0000000, s2;
	s6 =	simm.s32 $0x108;
	_ =	swait.ge @!p0 [sflag:s8], $0x0  }
0x24: {  	s3 =	sadd.s32 $0x88, s3;
	s6 =	simm.s32 @!p1 $0x1082;
	[sflag:s4] =	ssyncset.s32 $0xFFFFF086  }
0x25: {  	[simem:s6], [sflag:s4] =	dma.local [hbm:s3], $0xF7A  }
0x26: {  	[smem:$0x3F8F] =	sst s1;
	(tag) =	ssettag s2;
	_ =	strace s9  }
0x27: {  	s1 =	sld [smem:$0x3F9F]  }
0x28: {  	s2 =	sld [smem:$0x3FA0]  }
0x29: {  	s4 =	sld [smem:$0x3FA2]  }
0x2a: {  	p0 =	seq.s32 s5, $0x0;
	s5 =	sld [smem:$0x3FA3]  }
0x2b: {  	s6 =	sld [smem:$0x3FA4]  }
0x2c: {  	s7 =	sld [smem:$0x3FA5]  }
0x2d: {  	s3 =	simm.s32 $0x108;
	s8 =	sld [smem:$0x3FA6]  }
0x2e: {  	s3 =	simm.s32 @!p0 $0x1082;
	s9 =	sld [smem:$0x3FA7]  }
0x2f: {  	lr =	sadd.s32 s0, s3;
	s0 =	sld [smem:$0x3F9E]  }
0x30: {  	s3 =	sld [smem:$0x3FA1]  }
0x31: {  	[smem:$0x3FAA] =	sst s10  }
0x32: {  	s10 =	sld [smem:$0x3FA8];
	_ =	sdelay $0x3  }
0x33: {  	p0 =	seq.s32 s10, $0x1;
	s10 =	sld [smem:$0x3FAA];
	_ =	sdelay $0x3  }
0x34: {  	[smem:$0x3FAA] =	sst s10  }
0x35: {  	s10 =	sld [smem:$0x3FA9];
	_ =	sdelay $0x3  }
0x36: {  	p1 =	seq.s32 s10, $0x1;
	s10 =	sld [smem:$0x3FAA];
	_ =	sdelay $0x3  }
0x37: {  	[smem:$0x3FAA] =	sst s10  }
0x38: {  	s10 =	sld [smem:$0x3FAB]  }
0x39: {  	_ = 	snop;
	(pc) =	sbr.ind lr, $3  }
0x3a: {  	_ = 	snop  }
0x3b: {  	_ = 	snop  }
0x3c: {  	p2 =	seq.s32 s10, $0x1;
	s10 =	sld [smem:$0x3FAA]  }
0x3d: {  	_ =	shalt  }
0x3e: {  	_ =	shalt  }
0x3f: {  	_ =	shalt  }
0x40: {  	_ =	shalt  }
0x41: {  	_ =	shalt  }
0x42: {  	_ =	shalt  }
0x43: {  	_ =	shalt  }
0x44: {  	_ =	shalt  }
0x45: {  	_ =	shalt  }
0x46: {  	_ =	shalt  }
0x47: {  	_ =	shalt  }
0x48: {  	_ =	shalt  }
0x49: {  	_ =	shalt  }
0x4a: {  	_ =	shalt  }
0x4b: {  	_ =	shalt  }
0x4c: {  	_ =	shalt  }
0x4d: {  	_ =	shalt  }
0x4e: {  	_ =	shalt  }
0x4f: {  	_ =	shalt  }
0x50: {  	_ =	shalt  }
0x51: {  	_ =	shalt  }
0x52: {  	_ =	shalt  }
0x53: {  	_ =	shalt  }
0x54: {  	_ =	shalt  }
0x55: {  	_ =	shalt  }
0x56: {  	_ =	shalt  }
0x57: {  	_ =	shalt  }
0x58: {  	_ =	shalt  }
0x59: {  	_ =	shalt  }
0x5a: {  	_ =	shalt  }
0x5b: {  	_ =	shalt  }
0x5c: {  	_ =	shalt  }
0x5d: {  	_ =	shalt  }
0x5e: {  	_ =	shalt  }
0x5f: {  	_ =	shalt  }
0x60: {  	_ =	shalt  }
0x61: {  	_ =	shalt  }
0x62: {  	_ =	shalt  }
0x63: {  	_ =	shalt  }
0x64: {  	_ =	shalt  }
0x65: {  	_ =	shalt  }
0x66: {  	_ =	shalt  }
0x67: {  	_ =	shalt  }
0x68: {  	_ =	shalt  }
0x69: {  	_ =	shalt  }
0x6a: {  	_ =	shalt  }
0x6b: {  	_ =	shalt  }
0x6c: {  	_ =	shalt  }
0x6d: {  	_ =	shalt  }
0x6e: {  	_ =	shalt  }
0x6f: {  	_ =	shalt  }
0x70: {  	_ =	shalt  }
0x71: {  	_ =	shalt  }
0x72: {  	_ =	shalt  }
0x73: {  	_ =	shalt  }
0x74: {  	_ =	shalt  }
0x75: {  	_ =	shalt  }
0x76: {  	_ =	shalt  }
0x77: {  	_ =	shalt  }
0x78: {  	_ =	shalt  }
0x79: {  	_ =	shalt  }
0x7a: {  	_ =	shalt  }
0x7b: {  	_ =	shalt  }
0x7c: {  	_ =	shalt  }
0x7d: {  	_ =	shalt  }
0x7e: {  	_ =	shalt  }
0x7f: {  	_ =	shalt  }
0x80: {  	_ =	shalt  }
0x81: {  	_ =	shalt  }
0x82: {  	_ =	shalt  }
0x83: {  	_ =	shalt  }
0x84: {  	_ =	shalt  }
0x85: {  	_ =	shalt  }
0x86: {  	_ =	shalt  }
0x87: {  	_ =	shalt  }
.Lfunc_end0:
.L_simem_size_0:
called_computation_lowered:
.L_overlay_start_0:
0x88: {  	s2 =	sld [smem:$0x3FD9]  }
0x89: {  	s3 =	sld [smem:$0x3FFE];
	_ =	sdelay $0x1  }
0x8a: {  	s1 =	srdreg.scid  }
0x8b: {  	s0 =	sand.u32 $0x1, s1  }
0x8c: {  	s14 =	sshll.u32 s0, $0xA;
	s2 =	sadd.s32 s3, s2  }
0x8d: {  	s2 =	sadd.s32 s2, s14  }
0x8e: {  	[smem:$0x3FB6] =	sst s2  }
0x8f: {  	_ = 	snop  }
0x90: {  	s2 =	sld [smem:$0x3FD0];
	_ =	sdelay $0x2  }
0x91: {  	s15 =	simm.s32 $0xA;
	s4 =	simm.s32 $0x10  }
0x92: {  	[smem:s4], [sflag:s15] =	dma.local [hbm:s2], $0x1  }
0x93: {  	_ =	swait.eq [sflag:s15], $0x1  }
0x94: {  	[sflag:s15] =	ssyncset.done $0x0  }
0x95: {  	s16 =	sld [smem:$0x10];
	[sflag:s15] =	ssyncadd.s32 $0xFFFFFFFF  }
0x96: {  	s17 =	sld [smem:$0x12];
	(tm) =	ssettm $0x1  }
0x97: {  	s18 =	sld [smem:$0x3FFB];
	_ =	sdelay $0x3  }
0x98: {  	_ =	strace s18  }
0x99: {  	s4 =	sld [smem:$0x3FFC];
	_ =	sdelay $0x3  }
0x9a: {  	_ =	strace s4  }
0x9b: {  	s4 =	sld [smem:$0x3FFD];
	_ =	sdelay $0x3  }
0x9c: {  	_ =	strace s4  }
0x9d: {  	_ =	strace $0x8FFFFFFF  }
0x9e: {  	s19 =	sld [smem:$0x3FDB];
	_ =	sdelay $0x1  }
0x9f: {  	s5 =	simm.s32 $_scs_section_size  }
0xa0: {  	s6 =	simm.s32 $_size__tile_overlayer_lowered;
	s7 =	simm.s32 $_tile_overlayer_lowered  }
0xa1: {  	s22 =	simm.s32 $0x1BFF;
	s21 =	sshll.u32 s7, $0x1;
	s4 =	sadd.s32 s5, s19  }
0xa2: {  	s8 =	simm.s32 $0x0;
	s20 =	sshll.u32 s6, $0x1;
	s6 =	sadd.s32 s21, s4  }
0xa3: {  	[timem:s8], [sflag:s22] =	dma.local [hbm:s6], s20  }
0xa4: {  	_ =	swait.ge [sflag:s22], s20  }
0xa5: {  	s5 =	ssub.s32 $0x0, s20;
	[sflag:s22] =	ssyncset.done $0x0  }
0xa6: {  	[sflag:s22] =	ssyncadd.s32 s5;
	_ =	sdelay $0x1  }
0xa7: {  	s23 =	simm.s32 $0x1B8B  }
0xa8: {  	_ =	swait.ge [sflag:s23], $0x1  }
0xa9: {  	[sflag:s23] =	ssyncset.done $0x0  }
0xaa: {  	s25 =	simm.s32 $0x1B8E;
	s24 =	sld [smem:$0x3FFE];
	[sflag:s23] =	ssyncadd.s32 $0xFFFFFFFF  }
0xab: {  	s26 =	simm.s32 $execute0_lowered;
	[smem:$0x3FD2] =	sst s25  }
0xac: {  	s6 =	sshll.u32 s26, $0x1;
	_ =	strace $0x80000046;
	[dreg:$0x1] =	wrdreg $0xFFFFFFFF  }
0xad: {  	s28 =	simm.s32 $_size_execute0_lowered;
	s4 =	sadd.s32 s4, s6;
	[dreg:$0x0] =	wrdreg $0x0  }
0xae: {  	s6 =	sshll.u32 s28, $0x1;
	[dreg:$0x2] =	wrdreg s4  }
0xaf: {  	[dreg:$0x3] =	wrdreg s6  }
0xb0: {  	[dreg:$0x4] =	wrdreg $0xC0  }
0xb1: {  	_ =	task [dreg:s8], $0x5FFFF  }
0xb2: {  	[dreg:$0x1] =	wrdreg $0xFFFFFFFF  }
0xb3: {  	[dreg:$0x0] =	wrdreg $0x60  }
0xb4: {  	[dreg:$0x2] =	wrdreg s17  }
0xb5: {  	[dreg:$0x3] =	wrdreg s24  }
0xb6: {  	[dreg:$0x4] =	wrdreg s16  }
0xb7: {  	[dreg:$0x5] =	wrdreg $0x9  }
0xb8: {  	_ =	task.clear_ibuf [dreg:s8], $0x6FFFF;
	_ =	strace $0x90000046  }
0xb9: {  	s29 =	simm.s32 $0x9;
	_ =	strace $0x80000048  }
0xba: {  	_ =	swait.ge [sflag:s29], $0x1  }
0xbb: {  	[sflag:s29] =	ssyncadd.s32 $0xFFFFFFFF  }
0xbc: {  	_ =	strace $0x90000048  }
0xbd: {  	_ =	sfence  }
0xbe: {  	s30 =	sld [smem:$0x0];
	_ =	sdelay $0x2  }
0xbf: {  	s31 =	sshll.u32 s1, $0xD;
	s1 =	sshrl.u32 s1, $0x2  }
0xc0: {  	s3 =	sand.u32 $0x4000, s31;
	s1 =	sadd.s32 s1, s30  }
0xc1: {  	s0 =	sor.u32 s3, s0;
	s1 =	sshll.u32 s1, $0x11  }
0xc2: {  	s0 =	sor.u32 s1, s0  }
0xc3: {  	s0 =	sadd.s32 $0x8F2B, s0  }
0xc4: {  	[sflag:s0] =	ssyncadd.remote.s32 $0x1  }
0xc5: {  	_ =	sfence.sel $0xFFFF  }
0xc6: {  	[dreg:$0x0] =	wrdreg $0xFFFFFFFF;
	(pc) =	sbr.abs _section_cstart, $3  }
0xc7: {  	[dreg:$0x1] =	wrdreg $0xFFFFFFFF  }
0xc8: {  	_ =	task.clear_ibuf [dreg:s8], $0x2FFFF;
	_ =	strace $0x9FFFFFFF  }
0xc9: {  	(tm) =	ssettm $0x7FFFFFFF  }
tec
execute0_lowered:
.L_overlay_start_1:
0x0: {  	(tag) =	ssettag $0x1  }
0x1: {  	s2 =	srdreg.scid  }
0x2: {  	s1 =	rddreg [dreg:$0x0];
	s0 =	stileid.u32;
	s6 =	sand.u32 $0x1, s2  }
0x3: {  	s4 =	rddreg [dreg:$0x1];
	s30 =	sshll.u32 s0, $0x7;
	s3 =	sshll.u32 s6, $0x6  }
0x4: {  	s9 =	rddreg [dreg:$0x2];
	s10 =	sor.u32 s3, s30  }
0x5: {  	s2 =	rddreg [dreg:$0x3];
	s3 =	simm.s32 $0x0;
	s5 =	sshrl.u32 s10, $0x3  }
0x6: {  	s11 =	ssub.s32 $0x2, s6;
	[smem:$0x7FF] =	sst s3;
	s4 =	sadd.s32 s5, s4  }
0x7: {  	_ =	strace $0x80000047;
	s5 =	sadd.s32 $0x2800, s4;
	s4 =	simm.s32 $0x2  }
0x8: {  	[tilespmem:s3], [sflag:$0x2] =	stream.linear.gather [hbm4b:s5+s3], $0x40, $0x38;
	[tilespmem:$0x2080] =	vst v63  }
0x9: {  	s7 =	simm.s32 $0x80;
	s12 =	sshrl.u32 s11, $0x1;
	_ =	swait.ge [sflag:s4], $0x40  }
0xa: {  	s8 =	simm.s32 $0x1;
	s11 =	ssub.s32 s11, s12;
	[sflag:s4] =	ssyncset.done $0x0  }
0xb: {  	s6 =	simm.s32 $0x40;
	s31 =	smax.u32 s11, $0x1;
	[sflag:s4] =	ssyncadd.s32 $0xFFFFFFC0  }
0xc: {  	[tilespmem:s7], [sflag:$0x1] =	stream.indirect.gather [hbm4b:s1+s6], $0x80, s3, s6, $0xb8;
	[tilespmem:$0x2080] =	vst v63  }
0xd: {  	p0 =	sne.s32 s31, $0x1;
	_ =	swait.ge [sflag:s8], $0x2000  }
.Ltmp0:
0xe: {  	s10 =	sshll.u32 s10, $0x4;
	[sflag:s8] =	ssyncset.done $0x0;
	(pc) =	sbr.rel @!p0 .LBB2_2-.Ltmp0, $4  }
0xf: {  	s9 =	sadd.s32 s9, s10;
	[sflag:s8] =	ssyncadd.s32 $0xFFFFE000  }
0x10: {  	[hbm4b:s9+s3] =	stream.linear.scatter [tilespmem:s7], [sflag:$0x2], $0x2000, $0x38;
	[tilespmem:$0x2080] =	vst v63  }
0x11: {  	_ =	swait.ge [sflag:s4], $0x2000  }
0x12: {  	s10 =	sadd.s32 $0xFFFFFFFF, s31;
	[sflag:s4] =	ssyncset.done $0x0  }
.LBB2_1:
0x13: {  	p0 =	sne.s32 s10, $0x1;
	s10 =	sadd.s32 $0xFFFFFFFF, s10;
	[sflag:s4] =	ssyncadd.s32 $0xFFFFE000  }
0x14: {  	[tilespmem:s3], [sflag:$0x2] =	stream.linear.gather [hbm4b:s5+s3], $0x40, $0x38;
	[tilespmem:$0x2080] =	vst v63  }
0x15: {  	_ =	swait.ge [sflag:s4], $0x40  }
0x16: {  	[sflag:s4] =	ssyncset.done $0x0  }
0x17: {  	[sflag:s4] =	ssyncadd.s32 $0xFFFFFFC0  }
0x18: {  	[tilespmem:s7], [sflag:$0x1] =	stream.indirect.gather [hbm4b:s1+s6], $0x80, s3, s6, $0xb8;
	[tilespmem:$0x2080] =	vst v63  }
0x19: {  	_ =	swait.ge [sflag:s8], $0x2000  }
.Ltmp1:
0x1a: {  	[sflag:s8] =	ssyncset.done $0x0;
	(pc) =	sbr.rel @p0 .LBB2_1-.Ltmp1, $4  }
0x1b: {  	[sflag:s8] =	ssyncadd.s32 $0xFFFFE000  }
0x1c: {  	[hbm4b:s9+s3] =	stream.linear.scatter [tilespmem:s7], [sflag:$0x2], $0x2000, $0x38;
	[tilespmem:$0x2080] =	vst v63  }
0x1d: {  	_ =	swait.ge [sflag:s4], $0x2000  }
0x1e: {  	[sflag:s4] =	ssyncset.done $0x0  }
.LBB2_2:
0x1f: {  	[sflag:s4] =	ssyncadd.s32 $0xFFFFE000  }
0x20: {  	_ =	sfence.sel $0x180000  }
0x21: {  	[bflag:$0x0] =	sbarrier.arrive $0xFFFF  }
0x22: {  	p0 =	sne.s32 s0, $0x0;
	_ =	strace $0x90000047  }
0x23: {  	s0 =	sadd.s32 @!p0 $0x100000, s2;
	[bflag:$0x2] =	sbarrier.arrive $0xFFFF  }
0x24: {  	[sflag:s0] =	ssyncadd.tile.s32 @!p0 $0x1;
	_ =	shalt  }
.Lfunc_end2:
_tile_overlayer_lowered:
.L_overlay_start_2:
0x25: {  	(tag) =	ssettag $0x2  }
0x26: {  	s0 =	rddreg [dreg:$0x0];
	s2 =	stileid.u32  }
0x27: {  	s1 =	rddreg [dreg:$0x1];
	p0 =	sne.s32 s2, $0x0  }
0x28: {  	s3 =	rddreg [dreg:$0x2];
	[bflag:$0x3] =	sbarrier.arrive $0xFFFF;
	s2 =	simm.s32 @!p0 $0x1C02  }
0x29: {  	[timem:s3], [sflag:s2] =	dma.local @!p0 [hbm:s0], s1  }
0x2a: {  	s0 =	simm.s32 @!p0 $0x2  }
0x2b: {  	_ =	swait.ge @!p0 [sflag:s0], s1  }
0x2c: {  	s1 =	ssub.s32 @!p0 $0x0, s1;
	[sflag:s0] =	ssyncset.done @!p0 $0x0  }
0x2d: {  	[sflag:s0] =	ssyncadd.s32 @!p0 s1  }
0x2e: {  	[bflag:$0x3] =	sbarrier.arrive $0xFFFF  }
0x2f: {  	_ =	shalt  }

</sc_bundles>
